<compile_context>
chip_gen: v7x
topology: tpu7x:2x2x1
jax: 0.10.2.dev20260603
libtpu: 0.0.44.dev20260713+nightly
codegen_flags: <defaults>
</compile_context>

<pallas_src>
import functools
import jax
import jax.numpy as jnp
import numpy as np
from jax.experimental import pallas as pl
from jax.experimental.pallas import tpu as pltpu
from jax.experimental.pallas import tpu_sc as plsc

_B, _Q, _C, _S = 8, 20000, 91, 12
_K = 100
_NEG = -100000000000.0
_TQ = 1000
_TW = 128

_NC, _NS = 2, 16
_NW = _NC * _NS
_NG = 1024
_BPW = _NG // _NW

_SUP_ONEHOT = np.zeros((128, _C), np.float32)
_SUP_ONEHOT[(np.arange(_C) % _S), np.arange(_C)] = 1.0


def _stage1_body(l_ref, s_ref, b_ref, g_ref, tab_ref, m_ref):
    l = l_ref[...]
    s = s_ref[...]
    lcol = jax.lax.broadcasted_iota(jnp.int32, (_TQ, _C), 1)
    scol = jax.lax.broadcasted_iota(jnp.int32, (_TQ, _S), 1)
    sigl = jax.nn.sigmoid(jnp.where(lcol == _C - 1, _NEG, l))
    sigs = jax.nn.sigmoid(jnp.where(scol == _S - 1, _NEG, s))
    sigs_z = jnp.concatenate(
        [sigs, jnp.zeros((_TQ, 128 - _S), jnp.float32)], axis=1)
    supg = jnp.dot(sigs_z, g_ref[...], preferred_element_type=jnp.float32,
                   precision=jax.lax.Precision.HIGHEST)
    prob = sigl * supg
    tab_ref[...] = jnp.concatenate(
        [prob, b_ref[...], jnp.zeros((_TQ, _TW - _C - 4), jnp.float32)],
        axis=1)
    m_ref[...] = jnp.max(prob, axis=1, keepdims=True)


def _topq_body(m_ref, idx_ref, mv_ref):
    mv_ref[...] = m_ref[...]
    col = jax.lax.broadcasted_iota(jnp.int32, (_B, _Q), 1)
    kcol = jax.lax.broadcasted_iota(jnp.int32, (_B, _K), 1)

    def body(k, acc):
        mv = mv_ref[...]
        cur = jnp.max(mv, axis=1, keepdims=True)
        amx = jnp.min(jnp.where(mv == cur, col, _Q), axis=1, keepdims=True)
        acc = jnp.where(kcol == k, amx, acc)
        mv_ref[...] = jnp.where(col == amx, -jnp.inf, mv)
        return acc

    idx_ref[...] = jax.lax.fori_loop(0, _K, body, jnp.zeros((_B, _K), jnp.int32))


def _sc_gather_body(table_hbm, idx_hbm, out_hbm, idx_v, rows_v, sem):
    wid = jax.lax.axis_index("s") * _NC + jax.lax.axis_index("c")
    base = wid * _BPW
    pltpu.sync_copy(idx_hbm.at[pl.ds(base, _BPW)], idx_v)
    pltpu.async_copy(table_hbm.at[idx_v], rows_v, sem).wait()
    pltpu.sync_copy(rows_v, out_hbm.at[pl.ds(base, _BPW)])


def _final_body(v_ref, f_ref, bx_ref, ts_ref, sc_ref, lb_ref, bo_ref, vv_ref):
    n = _K * _C
    vv_ref[...] = v_ref[...]
    f = f_ref[...]
    col = jax.lax.broadcasted_iota(jnp.int32, (_B, n), 1)
    rowof = col // _C
    krow = jax.lax.broadcasted_iota(jnp.int32, (_B, _K), 1)
    kcol = krow

    cx = bx_ref[:, :, 0]
    cy = bx_ref[:, :, 1]
    w = bx_ref[:, :, 2]
    h = bx_ref[:, :, 3]
    img_h = ts_ref[:, 0:1]
    img_w = ts_ref[:, 1:2]
    x0 = (cx - 0.5 * w) * img_w
    y0 = (cy - 0.5 * h) * img_h
    x1 = (cx + 0.5 * w) * img_w
    y1 = (cy + 0.5 * h) * img_h

    big = jnp.int32(1 << 30)
    zf = jnp.zeros((_B, _K), jnp.float32)

    def body(k, acc):
        asc, alb, ax0, ay0, ax1, ay1 = acc
        vv = vv_ref[...]
        cur = jnp.max(vv, axis=1, keepdims=True)
        hit = vv == cur
        sel_f = jnp.min(jnp.where(hit, f, big), axis=1, keepdims=True)
        selmask = f == sel_f
        rowsel = jnp.min(jnp.where(selmask, rowof, big), axis=1, keepdims=True)
        at_k = kcol == k
        asc = jnp.where(at_k, cur, asc)
        alb = jnp.where(at_k, sel_f % _C, alb)
        oh = (krow == rowsel).astype(jnp.float32)
        ax0 = jnp.where(at_k, jnp.sum(x0 * oh, axis=1, keepdims=True), ax0)
        ay0 = jnp.where(at_k, jnp.sum(y0 * oh, axis=1, keepdims=True), ay0)
        ax1 = jnp.where(at_k, jnp.sum(x1 * oh, axis=1, keepdims=True), ax1)
        ay1 = jnp.where(at_k, jnp.sum(y1 * oh, axis=1, keepdims=True), ay1)
        vv_ref[...] = jnp.where(selmask, -jnp.inf, vv)
        return (asc, alb, ax0, ay0, ax1, ay1)

    asc, alb, ax0, ay0, ax1, ay1 = jax.lax.fori_loop(
        0, _K, body, (zf, jnp.zeros((_B, _K), jnp.int32), zf, zf, zf, zf))
    sc_ref[...] = asc
    lb_ref[...] = alb
    bo_ref[:, :, 0:1] = ax0[:, :, None]
    bo_ref[:, :, 1:2] = ay0[:, :, None]
    bo_ref[:, :, 2:3] = ax1[:, :, None]
    bo_ref[:, :, 3:4] = ay1[:, :, None]


def kernel(pred_logits, pred_boxes, pred_super_logits, target_sizes):
    nrows = _B * _Q
    l2 = pred_logits.reshape(nrows, _C)
    s2 = pred_super_logits.reshape(nrows, _S)
    b2 = pred_boxes.reshape(nrows, 4)
    onehot = jnp.asarray(_SUP_ONEHOT)

    table, m = pl.pallas_call(
        _stage1_body,
        grid=(nrows // _TQ,),
        in_specs=[
            pl.BlockSpec((_TQ, _C), lambda i: (i, 0)),
            pl.BlockSpec((_TQ, _S), lambda i: (i, 0)),
            pl.BlockSpec((_TQ, 4), lambda i: (i, 0)),
            pl.BlockSpec((128, _C), lambda i: (0, 0)),
        ],
        out_specs=[
            pl.BlockSpec((_TQ, _TW), lambda i: (i, 0)),
            pl.BlockSpec((_TQ, 1), lambda i: (i, 0)),
        ],
        out_shape=[
            jax.ShapeDtypeStruct((nrows, _TW), jnp.float32),
            jax.ShapeDtypeStruct((nrows, 1), jnp.float32),
        ],
    )(l2, s2, b2, onehot)

    mview = m.reshape(_B, _Q)
    cand = pl.pallas_call(
        _topq_body,
        out_shape=jax.ShapeDtypeStruct((_B, _K), jnp.int32),
        scratch_shapes=[pltpu.VMEM((_B, _Q), jnp.float32)],
    )(mview)

    flat_rows = (cand + (jnp.arange(_B, dtype=jnp.int32) * _Q)[:, None])
    idx_pad = jnp.zeros((_NG,), jnp.int32).at[: _B * _K].set(
        flat_rows.reshape(-1))

    rows = pl.kernel(
        _sc_gather_body,
        mesh=plsc.VectorSubcoreMesh(core_axis_name="c", subcore_axis_name="s"),
        out_type=jax.ShapeDtypeStruct((_NG, _TW), jnp.float32),
        scratch_types=[
            pltpu.VMEM((_BPW,), jnp.int32),
            pltpu.VMEM((_BPW, _TW), jnp.float32),
            pltpu.SemaphoreType.DMA,
        ],
    )(table, idx_pad)

    probc = rows[: _B * _K, :_C].reshape(_B, _K * _C)
    boxc = rows[: _B * _K, _C:_C + 4].reshape(_B, _K, 4)
    flatf = (cand[:, :, None] * _C +
             jnp.arange(_C, dtype=jnp.int32)[None, None, :])

    scores, labels, boxes = pl.pallas_call(
        _final_body,
        out_shape=[
            jax.ShapeDtypeStruct((_B, _K), jnp.float32),
            jax.ShapeDtypeStruct((_B, _K), jnp.int32),
            jax.ShapeDtypeStruct((_B, _K, 4), jnp.float32),
        ],
        scratch_shapes=[pltpu.VMEM((_B, _K * _C), jnp.float32)],
    )(probc, flatf.reshape(_B, _K * _C), boxc,
      target_sizes.astype(jnp.float32))

    return scores, labels, boxes

# --- scband reference (transcript-rebuilt; emitter-appended) ---
"""Pipeline reference for scband-post-process-83743272338140 (READ-ONLY COPY).

The authoritative reference and input builder live on the scoring server;
editing this copy changes nothing except your own understanding.
"""

import jax, jax.numpy as jnp
import numpy as np

B, Q, C, S = 8, 20000, 91, 12
PRED_PER_IM = 100
INVALID_CLS = np.array([90], dtype=np.int32)
INVALID_SUP = np.array([11], dtype=np.int32)
# match_dict[sup] = {c : CLASS_TO_SUPER[c] == sup}; every class belongs to exactly one super,
# so the per-super multiply loop is equivalent to a gather of the super sigmoid per class.
CLASS_TO_SUPER = (np.arange(C) % S).astype(np.int32)


def box_cxcywh_to_xyxy(x):
    x_c = x[..., 0]
    y_c = x[..., 1]
    w = x[..., 2]
    h = x[..., 3]
    return jnp.stack([x_c - 0.5 * w, y_c - 0.5 * h, x_c + 0.5 * w, y_c + 0.5 * h], axis=-1)


def setup_inputs(seed: int = 0) -> dict:
    key = jax.random.key(seed)
    k1, k2, k3, k4 = jax.random.split(key, 4)
    pred_logits = jax.random.normal(k1, (B, Q, C), dtype=jnp.float32)
    pred_boxes = jax.random.uniform(k2, (B, Q, 4), dtype=jnp.float32)
    pred_super_logits = jax.random.normal(k3, (B, Q, S), dtype=jnp.float32)
    target_sizes = jax.random.randint(k4, (B, 2), 480, 1333, dtype=jnp.int32)
    return {
        "pred_logits": pred_logits,
        "pred_boxes": pred_boxes,
        "pred_super_logits": pred_super_logits,
        "target_sizes": target_sizes,
    }


def reference(pred_logits, pred_boxes, pred_super_logits, target_sizes):
    # mask invalid class / super logits (in-place write in torch -> functional .at[].set)
    out_logits = pred_logits.at[:, :, INVALID_CLS].set(-100000000000.0)
    out_sup_logits = pred_super_logits.at[:, :, INVALID_SUP].set(-100000000000.0)

    # non-eval path: sigmoid probs, multiplied by the sigmoid of their superclass logit
    out_logits_sigmoid = jax.nn.sigmoid(out_logits)
    sup_sigmoid = jax.nn.sigmoid(out_sup_logits)
    # gather superclass prob per class (equivalent to the per-super loop)
    prob = out_logits_sigmoid * sup_sigmoid[:, :, CLASS_TO_SUPER]

    flat = prob.reshape(B, -1)
    topk_values, topk_indexes = jax.lax.top_k(flat, PRED_PER_IM)
    scores = topk_values
    topk_boxes = topk_indexes // C
    labels = topk_indexes % C

    boxes = box_cxcywh_to_xyxy(pred_boxes)
    idx = jnp.broadcast_to(topk_boxes[:, :, None], (B, PRED_PER_IM, 4))
    boxes = jnp.take_along_axis(boxes, idx, axis=1)

    ts = target_sizes.astype(jnp.float32)
    img_h = ts[:, 0]
    img_w = ts[:, 1]
    scale_fct = jnp.stack([img_w, img_h, img_w, img_h], axis=1)
    boxes = boxes * scale_fct[:, None, :]
    return scores, labels, boxes

if __name__ == "__main__":
    import jax
    _d = setup_inputs()
    print(jax.jit(kernel)(*tuple(_d.values())))

</pallas_src>

<mosaic_0001>
#map = affine_map<(d0, d1) -> (0, 0)>
#map1 = affine_map<(d0, d1) -> (0)>
module attributes {stable_mosaic.version = 14 : i64} {
  func.func @_sc_gather_body(%arg0: i32, %arg1: i32, %arg2: memref<160000x128xf32, #tpu.memory_space<hbm>>, %arg3: memref<1024xi32, #tpu.memory_space<hbm>>, %arg4: memref<1024x128xf32, #tpu.memory_space<hbm>>, %arg5: memref<32xi32, #tpu.memory_space<vmem>>, %arg6: memref<32x128xf32, #tpu.memory_space<vmem>>, %arg7: memref<!tpu.dma_semaphore, #tpu.memory_space<semaphore_mem>>) attributes {dimension_semantics = [#tpu.dimension_semantics<core_parallel>, #tpu.dimension_semantics<subcore_parallel>], iteration_bounds = array<i64: 2, 16>, scalar_prefetch = 0 : i64, scratch_operands = 3 : i64, tpu.core_type = #tpu.core_type<sc_vector_subcore>, window_params = [{transform_indices = #map}, {transform_indices = #map1}, {transform_indices = #map}]} {
    %mul3A = arith.constant 2 : i32
    %mul3A_0 = arith.muli %arg1, %mul3A : i32
    %add3A = arith.addi %mul3A_0, %arg0 : i32
    %mul3A_1 = arith.constant 32 : i32
    %mul3A_2 = arith.muli %add3A, %mul3A_1 : i32
    "tpu.region"() ({
      %run_scoped3A = tpu.sem_alloc : memref<!tpu.dma_semaphore, #tpu.memory_space<semaphore_mem>>
      %dma_start3A_7 = tpu.memref_slice %arg3[%mul3A_2] : memref<1024xi32, #tpu.memory_space<hbm>> -> memref<32xi32, #tpu.memory_space<hbm>>
      %dma_start3A_8 = tpu.memref_slice %arg3[%mul3A_2] : memref<1024xi32, #tpu.memory_space<hbm>> -> memref<32xi32, #tpu.memory_space<hbm>>
      tpu.enqueue_dma source(%dma_start3A_8 : memref<32xi32, #tpu.memory_space<hbm>>) target(%arg5 : memref<32xi32, #tpu.memory_space<vmem>>) target_semaphore(%run_scoped3A : memref<!tpu.dma_semaphore, #tpu.memory_space<semaphore_mem>>)
      %dma_wait3A_9 = tpu.memref_slice %arg3[%mul3A_2] : memref<1024xi32, #tpu.memory_space<hbm>> -> memref<32xi32, #tpu.memory_space<hbm>>
      %dma_wait3A_10 = tpu.memref_slice %arg3[%mul3A_2] : memref<1024xi32, #tpu.memory_space<hbm>> -> memref<32xi32, #tpu.memory_space<hbm>>
      tpu.wait_dma2 semaphore(%run_scoped3A : memref<!tpu.dma_semaphore, #tpu.memory_space<semaphore_mem>>) src(%dma_wait3A_10 : memref<32xi32, #tpu.memory_space<hbm>>) dst(%arg5 : memref<32xi32, #tpu.memory_space<vmem>>)
      tpu.yield
    }) : () -> ()
    %dma_start3A = arith.constant 0 : i32
    %dma_start3A_3 = arith.constant 0 : i32
    %dma_start3A_4 = tpu.memref_slice %arg2[%dma_start3A, %dma_start3A_3] : memref<160000x128xf32, #tpu.memory_space<hbm>> -> memref<160000x128xf32, #tpu.memory_space<hbm>>
    tpu.enqueue_indirect_dma source(%dma_start3A_4 : memref<160000x128xf32, #tpu.memory_space<hbm>>) target(%arg6 : memref<32x128xf32, #tpu.memory_space<vmem>>) offsets(%arg5 : memref<32xi32, #tpu.memory_space<vmem>>) semaphore(%arg7 : memref<!tpu.dma_semaphore, #tpu.memory_space<semaphore_mem>>)
    %dma_wait3A = arith.constant 0 : i32
    %dma_wait3A_5 = arith.constant 0 : i32
    %dma_wait3A_6 = tpu.memref_slice %arg2[%dma_wait3A, %dma_wait3A_5] : memref<160000x128xf32, #tpu.memory_space<hbm>> -> memref<160000x128xf32, #tpu.memory_space<hbm>>
    tpu.wait_indirect_dma semaphore(%arg7 : memref<!tpu.dma_semaphore, #tpu.memory_space<semaphore_mem>>) src(%dma_wait3A_6 : memref<160000x128xf32, #tpu.memory_space<hbm>>) dst(%arg6 : memref<32x128xf32, #tpu.memory_space<vmem>>)
    "tpu.region"() ({
      %run_scoped3A = tpu.sem_alloc : memref<!tpu.dma_semaphore, #tpu.memory_space<semaphore_mem>>
      %dma_start3A_7 = arith.constant 0 : i32
      %dma_start3A_8 = tpu.memref_slice %arg4[%mul3A_2, %dma_start3A_7] : memref<1024x128xf32, #tpu.memory_space<hbm>> -> memref<32x128xf32, #tpu.memory_space<hbm>>
      %dma_start3A_9 = arith.constant 0 : i32
      %dma_start3A_10 = tpu.memref_slice %arg4[%mul3A_2, %dma_start3A_9] : memref<1024x128xf32, #tpu.memory_space<hbm>> -> memref<32x128xf32, #tpu.memory_space<hbm>>
      tpu.enqueue_dma source(%arg6 : memref<32x128xf32, #tpu.memory_space<vmem>>) target(%dma_start3A_10 : memref<32x128xf32, #tpu.memory_space<hbm>>) target_semaphore(%run_scoped3A : memref<!tpu.dma_semaphore, #tpu.memory_space<semaphore_mem>>)
      %dma_wait3A_11 = arith.constant 0 : i32
      %dma_wait3A_12 = tpu.memref_slice %arg4[%mul3A_2, %dma_wait3A_11] : memref<1024x128xf32, #tpu.memory_space<hbm>> -> memref<32x128xf32, #tpu.memory_space<hbm>>
      %dma_wait3A_13 = arith.constant 0 : i32
      %dma_wait3A_14 = tpu.memref_slice %arg4[%mul3A_2, %dma_wait3A_13] : memref<1024x128xf32, #tpu.memory_space<hbm>> -> memref<32x128xf32, #tpu.memory_space<hbm>>
      tpu.wait_dma2 semaphore(%run_scoped3A : memref<!tpu.dma_semaphore, #tpu.memory_space<semaphore_mem>>) src(%arg6 : memref<32x128xf32, #tpu.memory_space<vmem>>) dst(%dma_wait3A_14 : memref<32x128xf32, #tpu.memory_space<hbm>>)
      tpu.yield
    }) : () -> ()
    return
  }
}

module attributes {stable_mosaic.version = 14 : i64} {
  func.func @_stage1_body(%arg0: i32, %arg1: memref<1000x91xf32, #tpu.memory_space<vmem>>, %arg2: memref<1000x12xf32, #tpu.memory_space<vmem>>, %arg3: memref<1000x4xf32, #tpu.memory_space<vmem>>, %arg4: memref<128x91xf32, #tpu.memory_space<vmem>>, %arg5: memref<1000x128xf32, #tpu.memory_space<vmem>>, %arg6: memref<1000x1xf32, #tpu.memory_space<vmem>>) attributes {dimension_semantics = [#tpu.dimension_semantics<arbitrary>], iteration_bounds = array<i64: 160>, scalar_prefetch = 0 : i64, scratch_operands = 0 : i64, tpu.core_type = #tpu.core_type<tc>, window_params = [{transform_indices = @transform_0, window_bounds = array<i64: 1000, 91>}, {transform_indices = @transform_1, window_bounds = array<i64: 1000, 12>}, {transform_indices = @transform_2, window_bounds = array<i64: 1000, 4>}, {pipeline_mode = #tpu.pipeline_mode<synchronous>, transform_indices = @transform_3, window_bounds = array<i64: 128, 91>}, {transform_indices = @transform_4, window_bounds = array<i64: 1000, 128>}, {transform_indices = @transform_5, window_bounds = array<i64: 1000, 1>}]} {
    %get3A = arith.constant 0 : index
    %get3A_0 = arith.constant 0 : index
    %get3A_1 = vector.load %arg1[%get3A, %get3A_0] : memref<1000x91xf32, #tpu.memory_space<vmem>>, vector<1000x91xf32>
    %get3A_2 = arith.constant 0 : index
    %get3A_3 = arith.constant 0 : index
    %get3A_4 = vector.load %arg2[%get3A_2, %get3A_3] : memref<1000x12xf32, #tpu.memory_space<vmem>>, vector<1000x12xf32>
    %iota3A = tpu.iota {dimensions = array<i32: 1>} : vector<1000x91xi32>
    %iota3A_5 = tpu.iota {dimensions = array<i32: 1>} : vector<1000x12xi32>
    %eq3A = arith.constant 90 : i32
    %eq3A_6 = vector.broadcast %eq3A : i32 to vector<1000x91xi32>
    %eq3A_7 = arith.cmpi eq, %iota3A, %eq3A_6 : vector<1000x91xi32>
    %jit3A = arith.constant -9.99999979E+10 : f32
    %broadcast_in_dim3A = vector.broadcast %jit3A : f32 to vector<1000x91xf32>
    %select_n3A = arith.select %eq3A_7, %broadcast_in_dim3A, %get3A_1 : vector<1000x91xi1>, vector<1000x91xf32>
    %logistic3A = arith.negf %select_n3A : vector<1000x91xf32>
    %logistic3A_8 = math.exp %logistic3A : vector<1000x91xf32>
    %logistic3A_9 = arith.constant 1.000000e+00 : f32
    %logistic3A_10 = vector.broadcast %logistic3A_9 : f32 to vector<1000x91xf32>
    %logistic3A_11 = arith.addf %logistic3A_10, %logistic3A_8 : vector<1000x91xf32>
    %logistic3A_12 = arith.divf %logistic3A_10, %logistic3A_11 : vector<1000x91xf32>
    %eq3A_13 = arith.constant 11 : i32
    %eq3A_14 = vector.broadcast %eq3A_13 : i32 to vector<1000x12xi32>
    %eq3A_15 = arith.cmpi eq, %iota3A_5, %eq3A_14 : vector<1000x12xi32>
    %jit3A_16 = arith.constant -9.99999979E+10 : f32
    %broadcast_in_dim3A_17 = vector.broadcast %jit3A_16 : f32 to vector<1000x12xf32>
    %select_n3A_18 = arith.select %eq3A_15, %broadcast_in_dim3A_17, %get3A_4 : vector<1000x12xi1>, vector<1000x12xf32>
    %logistic3A_19 = arith.negf %select_n3A_18 : vector<1000x12xf32>
    %logistic3A_20 = math.exp %logistic3A_19 : vector<1000x12xf32>
    %logistic3A_21 = arith.constant 1.000000e+00 : f32
    %logistic3A_22 = vector.broadcast %logistic3A_21 : f32 to vector<1000x12xf32>
    %logistic3A_23 = arith.addf %logistic3A_22, %logistic3A_20 : vector<1000x12xf32>
    %logistic3A_24 = arith.divf %logistic3A_22, %logistic3A_23 : vector<1000x12xf32>
    %broadcast_in_dim3A_25 = arith.constant 0.000000e+00 : f32
    %broadcast_in_dim3A_26 = vector.broadcast %broadcast_in_dim3A_25 : f32 to vector<1000x116xf32>
    %concatenate3A = tpu.concatenate %logistic3A_24, %broadcast_in_dim3A_26 in 1 : vector<1000x12xf32>, vector<1000x116xf32> -> vector<1000x128xf32>
    %get3A_27 = arith.constant 0 : index
    %get3A_28 = arith.constant 0 : index
    %get3A_29 = vector.load %arg4[%get3A_27, %get3A_28] : memref<128x91xf32, #tpu.memory_space<vmem>>, vector<128x91xf32>
    %dot_general3A = arith.constant dense<0.000000e+00> : vector<1000x91xf32>
    %dot_general3A_30 = tpu.matmul %concatenate3A, %get3A_29, %dot_general3A {dimension_numbers = #tpu.dot_dimension_numbers<[1], [0], [0], [1], [0, 0, 1, 1], [], []>, precision = #tpu.contract_precision<fp32>, transpose_lhs_hint = false} : vector<1000x128xf32>, vector<128x91xf32>, vector<1000x91xf32> -> vector<1000x91xf32>
    %mul3A = arith.mulf %logistic3A_12, %dot_general3A_30 : vector<1000x91xf32>
    %get3A_31 = arith.constant 0 : index
    %get3A_32 = arith.constant 0 : index
    %get3A_33 = vector.load %arg3[%get3A_31, %get3A_32] : memref<1000x4xf32, #tpu.memory_space<vmem>>, vector<1000x4xf32>
    %broadcast_in_dim3A_34 = arith.constant 0.000000e+00 : f32
    %broadcast_in_dim3A_35 = vector.broadcast %broadcast_in_dim3A_34 : f32 to vector<1000x33xf32>
    %concatenate3A_36 = tpu.concatenate %mul3A, %get3A_33, %broadcast_in_dim3A_35 in 1 : vector<1000x91xf32>, vector<1000x4xf32>, vector<1000x33xf32> -> vector<1000x128xf32>
    %swap3A = arith.constant 0 : index
    %swap3A_37 = arith.constant 0 : index
    %swap3A_38 = vector.load %arg5[%swap3A, %swap3A_37] : memref<1000x128xf32, #tpu.memory_space<vmem>>, vector<1000x128xf32>
    tpu.vector_store %arg5[%swap3A, %swap3A_37], %concatenate3A_36 {strides = array<i32>} : memref<1000x128xf32, #tpu.memory_space<vmem>>, vector<1000x128xf32>,
    %reduce_max3A = arith.constant dense<0xFF800000> : vector<1000xf32>
    %reduce_max3A_39 = vector.multi_reduction <maximumf>, %mul3A, %reduce_max3A [1] : vector<1000x91xf32> to vector<1000xf32>
    %broadcast_in_dim3A_40 = vector.shape_cast %reduce_max3A_39 : vector<1000xf32> to vector<1000x1xf32>
    %swap3A_41 = arith.constant 0 : index
    %swap3A_42 = arith.constant 0 : index
    %swap3A_43 = vector.load %arg6[%swap3A_41, %swap3A_42] : memref<1000x1xf32, #tpu.memory_space<vmem>>, vector<1000x1xf32>
    tpu.vector_store %arg6[%swap3A_41, %swap3A_42], %broadcast_in_dim3A_40 {strides = array<i32>} : memref<1000x1xf32, #tpu.memory_space<vmem>>, vector<1000x1xf32>,
    return
  }
  func.func @transform_0(%arg0: i32) -> (i32, i32) {
    %c0_i32 = arith.constant 0 : i32
    %c0_i32_0 = arith.constant 0 : i32
    return %arg0, %c0_i32 : i32, i32
  }
  func.func @transform_1(%arg0: i32) -> (i32, i32) {
    %c0_i32 = arith.constant 0 : i32
    %c0_i32_0 = arith.constant 0 : i32
    return %arg0, %c0_i32 : i32, i32
  }
  func.func @transform_2(%arg0: i32) -> (i32, i32) {
    %c0_i32 = arith.constant 0 : i32
    %c0_i32_0 = arith.constant 0 : i32
    return %arg0, %c0_i32 : i32, i32
  }
  func.func @transform_3(%arg0: i32) -> (i32, i32) {
    %c0_i32 = arith.constant 0 : i32
    %c0_i32_0 = arith.constant 0 : i32
    %c0_i32_1 = arith.constant 0 : i32
    return %c0_i32, %c0_i32_0 : i32, i32
  }
  func.func @transform_4(%arg0: i32) -> (i32, i32) {
    %c0_i32 = arith.constant 0 : i32
    %c0_i32_0 = arith.constant 0 : i32
    return %arg0, %c0_i32 : i32, i32
  }
  func.func @transform_5(%arg0: i32) -> (i32, i32) {
    %c0_i32 = arith.constant 0 : i32
    %c0_i32_0 = arith.constant 0 : i32
    return %arg0, %c0_i32 : i32, i32
  }
}

module attributes {stable_mosaic.version = 14 : i64} {
  func.func @_topq_body(%arg0: memref<8x20000xf32, #tpu.memory_space<vmem>>, %arg1: memref<8x100xi32, #tpu.memory_space<vmem>>, %arg2: memref<8x20000xf32, #tpu.memory_space<vmem>>) attributes {dimension_semantics = [], scalar_prefetch = 0 : i64, scratch_operands = 1 : i64, tpu.core_type = #tpu.core_type<tc>} {
    %get3A = arith.constant 0 : index
    %get3A_0 = arith.constant 0 : index
    %get3A_1 = vector.load %arg0[%get3A, %get3A_0] : memref<8x20000xf32, #tpu.memory_space<vmem>>, vector<8x20000xf32>
    %swap3A = arith.constant 0 : index
    %swap3A_2 = arith.constant 0 : index
    %swap3A_3 = vector.load %arg2[%swap3A, %swap3A_2] : memref<8x20000xf32, #tpu.memory_space<vmem>>, vector<8x20000xf32>
    tpu.vector_store %arg2[%swap3A, %swap3A_2], %get3A_1 {strides = array<i32>} : memref<8x20000xf32, #tpu.memory_space<vmem>>, vector<8x20000xf32>,
    %iota3A = tpu.iota {dimensions = array<i32: 1>} : vector<8x20000xi32>
    %iota3A_4 = tpu.iota {dimensions = array<i32: 1>} : vector<8x100xi32>
    %broadcast_in_dim3A = arith.constant 0 : i32
    %broadcast_in_dim3A_5 = vector.broadcast %broadcast_in_dim3A : i32 to vector<8x100xi32>
    %scan3A = arith.constant 0 : i32
    %scan3A_6 = arith.constant 100 : i32
    %scan3A_7 = arith.addi %scan3A, %scan3A_6 : i32
    %scan3A_8 = arith.constant 1 : i32
    %scan3A_9 = scf.for %scan3A_14 = %scan3A to %scan3A_7 step %scan3A_8 iter_args(%scan3A_15 = %broadcast_in_dim3A_5) -> (vector<8x100xi32>)  : i32 {
      %get3A_16 = arith.constant 0 : index
      %get3A_17 = arith.constant 0 : index
      %get3A_18 = vector.load %arg2[%get3A_16, %get3A_17] : memref<8x20000xf32, #tpu.memory_space<vmem>>, vector<8x20000xf32>
      %reduce_max3A = arith.constant dense<0xFF800000> : vector<8xf32>
      %reduce_max3A_19 = vector.multi_reduction <maximumf>, %get3A_18, %reduce_max3A [1] : vector<8x20000xf32> to vector<8xf32>
      %broadcast_in_dim3A_20 = vector.shape_cast %reduce_max3A_19 : vector<8xf32> to vector<8x1xf32>
      %eq3A = vector.broadcast %broadcast_in_dim3A_20 : vector<8x1xf32> to vector<8x20000xf32>
      %eq3A_21 = arith.cmpf oeq, %get3A_18, %eq3A : vector<8x20000xf32>
      %jit3A = arith.constant 20000 : i32
      %broadcast_in_dim3A_22 = vector.broadcast %jit3A : i32 to vector<8x20000xi32>
      %select_n3A = arith.select %eq3A_21, %iota3A, %broadcast_in_dim3A_22 : vector<8x20000xi1>, vector<8x20000xi32>
      %reduce_min3A = arith.constant dense<2147483647> : vector<8xi32>
      %reduce_min3A_23 = vector.multi_reduction <minsi>, %select_n3A, %reduce_min3A [1] : vector<8x20000xi32> to vector<8xi32>
      %broadcast_in_dim3A_24 = vector.shape_cast %reduce_min3A_23 : vector<8xi32> to vector<8x1xi32>
      %eq3A_25 = vector.broadcast %scan3A_14 : i32 to vector<8x100xi32>
      %eq3A_26 = arith.cmpi eq, %iota3A_4, %eq3A_25 : vector<8x100xi32>
      %broadcast_in_dim3A_27 = vector.shape_cast %broadcast_in_dim3A_24 : vector<8x1xi32> to vector<8x1xi32>
      %broadcast_in_dim3A_28 = vector.broadcast %broadcast_in_dim3A_27 : vector<8x1xi32> to vector<8x100xi32>
      %select_n3A_29 = arith.select %eq3A_26, %broadcast_in_dim3A_28, %scan3A_15 : vector<8x100xi1>, vector<8x100xi32>
      %eq3A_30 = vector.broadcast %broadcast_in_dim3A_24 : vector<8x1xi32> to vector<8x20000xi32>
      %eq3A_31 = arith.cmpi eq, %iota3A, %eq3A_30 : vector<8x20000xi32>
      %jit3A_32 = arith.constant 0xFF800000 : f32
      %broadcast_in_dim3A_33 = vector.broadcast %jit3A_32 : f32 to vector<8x20000xf32>
      %select_n3A_34 = arith.select %eq3A_31, %broadcast_in_dim3A_33, %get3A_18 : vector<8x20000xi1>, vector<8x20000xf32>
      %swap3A_35 = arith.constant 0 : index
      %swap3A_36 = arith.constant 0 : index
      %swap3A_37 = vector.load %arg2[%swap3A_35, %swap3A_36] : memref<8x20000xf32, #tpu.memory_space<vmem>>, vector<8x20000xf32>
      tpu.vector_store %arg2[%swap3A_35, %swap3A_36], %select_n3A_34 {strides = array<i32>} : memref<8x20000xf32, #tpu.memory_space<vmem>>, vector<8x20000xf32>,
      scf.yield %select_n3A_29 : vector<8x100xi32>
    }
    %scan3A_10 = arith.constant 100 : i32
    %swap3A_11 = arith.constant 0 : index
    %swap3A_12 = arith.constant 0 : index
    %swap3A_13 = vector.load %arg1[%swap3A_11, %swap3A_12] : memref<8x100xi32, #tpu.memory_space<vmem>>, vector<8x100xi32>
    tpu.vector_store %arg1[%swap3A_11, %swap3A_12], %scan3A_9 {strides = array<i32>} : memref<8x100xi32, #tpu.memory_space<vmem>>, vector<8x100xi32>,
    return
  }
}

module attributes {stable_mosaic.version = 14 : i64} {
  func.func @_final_body(%arg0: memref<8x9100xf32, #tpu.memory_space<vmem>>, %arg1: memref<8x9100xi32, #tpu.memory_space<vmem>>, %arg2: memref<8x100x4xf32, #tpu.memory_space<vmem>>, %arg3: memref<8x2xf32, #tpu.memory_space<vmem>>, %arg4: memref<8x100xf32, #tpu.memory_space<vmem>>, %arg5: memref<8x100xi32, #tpu.memory_space<vmem>>, %arg6: memref<8x100x4xf32, #tpu.memory_space<vmem>>, %arg7: memref<8x9100xf32, #tpu.memory_space<vmem>>) attributes {dimension_semantics = [], scalar_prefetch = 0 : i64, scratch_operands = 1 : i64, tpu.core_type = #tpu.core_type<tc>} {
    %get3A = arith.constant 0 : index
    %get3A_0 = arith.constant 0 : index
    %get3A_1 = vector.load %arg0[%get3A, %get3A_0] : memref<8x9100xf32, #tpu.memory_space<vmem>>, vector<8x9100xf32>
    %swap3A = arith.constant 0 : index
    %swap3A_2 = arith.constant 0 : index
    %swap3A_3 = vector.load %arg7[%swap3A, %swap3A_2] : memref<8x9100xf32, #tpu.memory_space<vmem>>, vector<8x9100xf32>
    tpu.vector_store %arg7[%swap3A, %swap3A_2], %get3A_1 {strides = array<i32>} : memref<8x9100xf32, #tpu.memory_space<vmem>>, vector<8x9100xf32>,
    %get3A_4 = arith.constant 0 : index
    %get3A_5 = arith.constant 0 : index
    %get3A_6 = vector.load %arg1[%get3A_4, %get3A_5] : memref<8x9100xi32, #tpu.memory_space<vmem>>, vector<8x9100xi32>
    %iota3A = tpu.iota {dimensions = array<i32: 1>} : vector<8x9100xi32>
    %jit3A = arith.constant 91 : i32
    %div3A = vector.broadcast %jit3A : i32 to vector<8x9100xi32>
    %div3A_7 = arith.divsi %iota3A, %div3A : vector<8x9100xi32>
    %sign3A = arith.constant 0 : i32
    %sign3A_8 = vector.broadcast %sign3A : i32 to vector<8x9100xi32>
    %sign3A_9 = arith.cmpi sgt, %iota3A, %sign3A_8 : vector<8x9100xi32>
    %sign3A_10 = arith.extui %sign3A_9 : vector<8x9100xi1> to vector<8x9100xi32>
    %sign3A_11 = arith.constant 0 : i32
    %sign3A_12 = vector.broadcast %sign3A_11 : i32 to vector<8x9100xi32>
    %sign3A_13 = arith.cmpi slt, %iota3A, %sign3A_12 : vector<8x9100xi32>
    %sign3A_14 = arith.extui %sign3A_13 : vector<8x9100xi1> to vector<8x9100xi32>
    %sign3A_15 = arith.subi %sign3A_10, %sign3A_14 : vector<8x9100xi32>
    %sign3A_16 = arith.constant 0 : i32
    %sign3A_17 = arith.cmpi sgt, %jit3A, %sign3A_16 : i32
    %sign3A_18 = arith.extui %sign3A_17 : i1 to i32
    %sign3A_19 = arith.constant 0 : i32
    %sign3A_20 = arith.cmpi slt, %jit3A, %sign3A_19 : i32
    %sign3A_21 = arith.extui %sign3A_20 : i1 to i32
    %sign3A_22 = arith.subi %sign3A_18, %sign3A_21 : i32
    %ne3A = vector.broadcast %sign3A_22 : i32 to vector<8x9100xi32>
    %ne3A_23 = arith.cmpi ne, %sign3A_15, %ne3A : vector<8x9100xi32>
    %rem3A = vector.broadcast %jit3A : i32 to vector<8x9100xi32>
    %rem3A_24 = arith.remsi %iota3A, %rem3A : vector<8x9100xi32>
    %ne3A_25 = arith.constant 0 : i32
    %ne3A_26 = vector.broadcast %ne3A_25 : i32 to vector<8x9100xi32>
    %ne3A_27 = arith.cmpi ne, %rem3A_24, %ne3A_26 : vector<8x9100xi32>
    %and3A = arith.andi %ne3A_23, %ne3A_27 : vector<8x9100xi1>
    %sub3A = arith.constant 1 : i32
    %sub3A_28 = vector.broadcast %sub3A : i32 to vector<8x9100xi32>
    %sub3A_29 = arith.subi %div3A_7, %sub3A_28 : vector<8x9100xi32>
    %select_n3A = arith.select %and3A, %sub3A_29, %div3A_7 : vector<8x9100xi1>, vector<8x9100xi32>
    %iota3A_30 = tpu.iota {dimensions = array<i32: 1>} : vector<8x100xi32>
    %get3A_31 = arith.constant 0 : index
    %get3A_32 = arith.constant 0 : index
    %get3A_33 = arith.constant 0 : index
    %get3A_34 = vector.load %arg2[%get3A_31, %get3A_32, %get3A_33] : memref<8x100x4xf32, #tpu.memory_space<vmem>>, vector<8x100x1xf32>
    %get3A_35 = vector.shape_cast %get3A_34 : vector<8x100x1xf32> to vector<8x100xf32>
    %get3A_36 = arith.constant 0 : index
    %get3A_37 = arith.constant 0 : index
    %get3A_38 = arith.constant 1 : index
    %get3A_39 = vector.load %arg2[%get3A_36, %get3A_37, %get3A_38] : memref<8x100x4xf32, #tpu.memory_space<vmem>>, vector<8x100x1xf32>
    %get3A_40 = vector.shape_cast %get3A_39 : vector<8x100x1xf32> to vector<8x100xf32>
    %get3A_41 = arith.constant 0 : index
    %get3A_42 = arith.constant 0 : index
    %get3A_43 = arith.constant 2 : index
    %get3A_44 = vector.load %arg2[%get3A_41, %get3A_42, %get3A_43] : memref<8x100x4xf32, #tpu.memory_space<vmem>>, vector<8x100x1xf32>
    %get3A_45 = vector.shape_cast %get3A_44 : vector<8x100x1xf32> to vector<8x100xf32>
    %get3A_46 = arith.constant 0 : index
    %get3A_47 = arith.constant 0 : index
    %get3A_48 = arith.constant 3 : index
    %get3A_49 = vector.load %arg2[%get3A_46, %get3A_47, %get3A_48] : memref<8x100x4xf32, #tpu.memory_space<vmem>>, vector<8x100x1xf32>
    %get3A_50 = vector.shape_cast %get3A_49 : vector<8x100x1xf32> to vector<8x100xf32>
    %get3A_51 = arith.constant 0 : index
    %get3A_52 = arith.constant 0 : index
    %get3A_53 = vector.load %arg3[%get3A_51, %get3A_52] : memref<8x2xf32, #tpu.memory_space<vmem>>, vector<8x1xf32>
    %get3A_54 = arith.constant 0 : index
    %get3A_55 = arith.constant 1 : index
    %get3A_56 = vector.load %arg3[%get3A_54, %get3A_55] : memref<8x2xf32, #tpu.memory_space<vmem>>, vector<8x1xf32>
    %mul3A = arith.constant 5.000000e-01 : f32
    %mul3A_57 = vector.broadcast %mul3A : f32 to vector<8x100xf32>
    %mul3A_58 = arith.mulf %mul3A_57, %get3A_45 : vector<8x100xf32>
    %sub3A_59 = arith.subf %get3A_35, %mul3A_58 : vector<8x100xf32>
    %mul3A_60 = vector.broadcast %get3A_56 : vector<8x1xf32> to vector<8x100xf32>
    %mul3A_61 = arith.mulf %sub3A_59, %mul3A_60 : vector<8x100xf32>
    %mul3A_62 = arith.constant 5.000000e-01 : f32
    %mul3A_63 = vector.broadcast %mul3A_62 : f32 to vector<8x100xf32>
    %mul3A_64 = arith.mulf %mul3A_63, %get3A_50 : vector<8x100xf32>
    %sub3A_65 = arith.subf %get3A_40, %mul3A_64 : vector<8x100xf32>
    %mul3A_66 = vector.broadcast %get3A_53 : vector<8x1xf32> to vector<8x100xf32>
    %mul3A_67 = arith.mulf %sub3A_65, %mul3A_66 : vector<8x100xf32>
    %mul3A_68 = arith.constant 5.000000e-01 : f32
    %mul3A_69 = vector.broadcast %mul3A_68 : f32 to vector<8x100xf32>
    %mul3A_70 = arith.mulf %mul3A_69, %get3A_45 : vector<8x100xf32>
    %add3A = arith.addf %get3A_35, %mul3A_70 : vector<8x100xf32>
    %mul3A_71 = vector.broadcast %get3A_56 : vector<8x1xf32> to vector<8x100xf32>
    %mul3A_72 = arith.mulf %add3A, %mul3A_71 : vector<8x100xf32>
    %mul3A_73 = arith.constant 5.000000e-01 : f32
    %mul3A_74 = vector.broadcast %mul3A_73 : f32 to vector<8x100xf32>
    %mul3A_75 = arith.mulf %mul3A_74, %get3A_50 : vector<8x100xf32>
    %add3A_76 = arith.addf %get3A_40, %mul3A_75 : vector<8x100xf32>
    %mul3A_77 = vector.broadcast %get3A_53 : vector<8x1xf32> to vector<8x100xf32>
    %mul3A_78 = arith.mulf %add3A_76, %mul3A_77 : vector<8x100xf32>
    %broadcast_in_dim3A = arith.constant 0.000000e+00 : f32
    %broadcast_in_dim3A_79 = vector.broadcast %broadcast_in_dim3A : f32 to vector<8x100xf32>
    %broadcast_in_dim3A_80 = arith.constant 0 : i32
    %broadcast_in_dim3A_81 = vector.broadcast %broadcast_in_dim3A_80 : i32 to vector<8x100xi32>
    %scan3A = arith.constant 1073741824 : i32
    %scan3A_82 = arith.constant 0 : i32
    %scan3A_83 = arith.constant 100 : i32
    %scan3A_84 = arith.addi %scan3A_82, %scan3A_83 : i32
    %scan3A_85 = arith.constant 1 : i32
    %scan3A_86:6 = scf.for %scan3A_114 = %scan3A_82 to %scan3A_84 step %scan3A_85 iter_args(%scan3A_115 = %broadcast_in_dim3A_79, %scan3A_116 = %broadcast_in_dim3A_81, %scan3A_117 = %broadcast_in_dim3A_79, %scan3A_118 = %broadcast_in_dim3A_79, %scan3A_119 = %broadcast_in_dim3A_79, %scan3A_120 = %broadcast_in_dim3A_79) -> (vector<8x100xf32>, vector<8x100xi32>, vector<8x100xf32>, vector<8x100xf32>, vector<8x100xf32>, vector<8x100xf32>)  : i32 {
      %get3A_121 = arith.constant 0 : index
      %get3A_122 = arith.constant 0 : index
      %get3A_123 = vector.load %arg7[%get3A_121, %get3A_122] : memref<8x9100xf32, #tpu.memory_space<vmem>>, vector<8x9100xf32>
      %reduce_max3A = arith.constant dense<0xFF800000> : vector<8xf32>
      %reduce_max3A_124 = vector.multi_reduction <maximumf>, %get3A_123, %reduce_max3A [1] : vector<8x9100xf32> to vector<8xf32>
      %broadcast_in_dim3A_125 = vector.shape_cast %reduce_max3A_124 : vector<8xf32> to vector<8x1xf32>
      %eq3A = vector.broadcast %broadcast_in_dim3A_125 : vector<8x1xf32> to vector<8x9100xf32>
      %eq3A_126 = arith.cmpf oeq, %get3A_123, %eq3A : vector<8x9100xf32>
      %broadcast_in_dim3A_127 = vector.broadcast %scan3A : i32 to vector<8x9100xi32>
      %select_n3A_128 = arith.select %eq3A_126, %get3A_6, %broadcast_in_dim3A_127 : vector<8x9100xi1>, vector<8x9100xi32>
      %reduce_min3A = arith.constant dense<2147483647> : vector<8xi32>
      %reduce_min3A_129 = vector.multi_reduction <minsi>, %select_n3A_128, %reduce_min3A [1] : vector<8x9100xi32> to vector<8xi32>
      %broadcast_in_dim3A_130 = vector.shape_cast %reduce_min3A_129 : vector<8xi32> to vector<8x1xi32>
      %eq3A_131 = vector.broadcast %broadcast_in_dim3A_130 : vector<8x1xi32> to vector<8x9100xi32>
      %eq3A_132 = arith.cmpi eq, %get3A_6, %eq3A_131 : vector<8x9100xi32>
      %broadcast_in_dim3A_133 = vector.broadcast %scan3A : i32 to vector<8x9100xi32>
      %select_n3A_134 = arith.select %eq3A_132, %select_n3A, %broadcast_in_dim3A_133 : vector<8x9100xi1>, vector<8x9100xi32>
      %reduce_min3A_135 = arith.constant dense<2147483647> : vector<8xi32>
      %reduce_min3A_136 = vector.multi_reduction <minsi>, %select_n3A_134, %reduce_min3A_135 [1] : vector<8x9100xi32> to vector<8xi32>
      %broadcast_in_dim3A_137 = vector.shape_cast %reduce_min3A_136 : vector<8xi32> to vector<8x1xi32>
      %eq3A_138 = vector.broadcast %scan3A_114 : i32 to vector<8x100xi32>
      %eq3A_139 = arith.cmpi eq, %iota3A_30, %eq3A_138 : vector<8x100xi32>
      %broadcast_in_dim3A_140 = vector.shape_cast %broadcast_in_dim3A_125 : vector<8x1xf32> to vector<8x1xf32>
      %broadcast_in_dim3A_141 = vector.broadcast %broadcast_in_dim3A_140 : vector<8x1xf32> to vector<8x100xf32>
      %select_n3A_142 = arith.select %eq3A_139, %broadcast_in_dim3A_141, %scan3A_115 : vector<8x100xi1>, vector<8x100xf32>
      %jit3A_143 = arith.constant 91 : i32
      %eq3A_144 = arith.constant 0 : i32
      %eq3A_145 = arith.cmpi eq, %jit3A_143, %eq3A_144 : i32
      %jit3A_146 = arith.constant 1 : i32
      %select_n3A_147 = arith.select %eq3A_145, %jit3A_146, %jit3A_143 : i32
      %rem3A_148 = vector.broadcast %select_n3A_147 : i32 to vector<8x1xi32>
      %rem3A_149 = arith.remsi %broadcast_in_dim3A_130, %rem3A_148 : vector<8x1xi32>
      %ne3A_150 = arith.constant 0 : i32
      %ne3A_151 = vector.broadcast %ne3A_150 : i32 to vector<8x1xi32>
      %ne3A_152 = arith.cmpi ne, %rem3A_149, %ne3A_151 : vector<8x1xi32>
      %lt3A = arith.constant 0 : i32
      %lt3A_153 = vector.broadcast %lt3A : i32 to vector<8x1xi32>
      %lt3A_154 = arith.cmpi slt, %rem3A_149, %lt3A_153 : vector<8x1xi32>
      %lt3A_155 = arith.constant 0 : i32
      %lt3A_156 = arith.cmpi slt, %select_n3A_147, %lt3A_155 : i32
      %ne3A_157 = vector.broadcast %lt3A_156 : i1 to vector<8x1xi1>
      %ne3A_158 = vector.broadcast %ne3A_157 : vector<8x1xi1> to vector<8x1xi1>
      %ne3A_159 = arith.xori %lt3A_154, %ne3A_158 : vector<8x1xi1>
      %and3A_160 = arith.andi %ne3A_159, %ne3A_152 : vector<8x1xi1>
      %add3A_161 = vector.broadcast %select_n3A_147 : i32 to vector<8x1xi32>
      %add3A_162 = arith.addi %rem3A_149, %add3A_161 : vector<8x1xi32>
      %select_n3A_163 = arith.select %and3A_160, %add3A_162, %rem3A_149 : vector<8x1xi1>, vector<8x1xi32>
      %broadcast_in_dim3A_164 = vector.shape_cast %select_n3A_163 : vector<8x1xi32> to vector<8x1xi32>
      %broadcast_in_dim3A_165 = vector.broadcast %broadcast_in_dim3A_164 : vector<8x1xi32> to vector<8x100xi32>
      %select_n3A_166 = arith.select %eq3A_139, %broadcast_in_dim3A_165, %scan3A_116 : vector<8x100xi1>, vector<8x100xi32>
      %eq3A_167 = vector.broadcast %broadcast_in_dim3A_137 : vector<8x1xi32> to vector<8x100xi32>
      %eq3A_168 = arith.cmpi eq, %iota3A_30, %eq3A_167 : vector<8x100xi32>
      %convert_element_type3A = arith.extui %eq3A_168 : vector<8x100xi1> to vector<8x100xi32>
      %convert_element_type3A_169 = arith.sitofp %convert_element_type3A : vector<8x100xi32> to vector<8x100xf32>
      %mul3A_170 = arith.mulf %mul3A_61, %convert_element_type3A_169 : vector<8x100xf32>
      %reduce_sum3A = arith.constant dense<0.000000e+00> : vector<8xf32>
      %reduce_sum3A_171 = vector.multi_reduction <add>, %mul3A_170, %reduce_sum3A [1] : vector<8x100xf32> to vector<8xf32>
      %broadcast_in_dim3A_172 = vector.shape_cast %reduce_sum3A_171 : vector<8xf32> to vector<8x1xf32>
      %broadcast_in_dim3A_173 = vector.shape_cast %broadcast_in_dim3A_172 : vector<8x1xf32> to vector<8x1xf32>
      %broadcast_in_dim3A_174 = vector.broadcast %broadcast_in_dim3A_173 : vector<8x1xf32> to vector<8x100xf32>
      %select_n3A_175 = arith.select %eq3A_139, %broadcast_in_dim3A_174, %scan3A_117 : vector<8x100xi1>, vector<8x100xf32>
      %mul3A_176 = arith.mulf %mul3A_67, %convert_element_type3A_169 : vector<8x100xf32>
      %reduce_sum3A_177 = arith.constant dense<0.000000e+00> : vector<8xf32>
      %reduce_sum3A_178 = vector.multi_reduction <add>, %mul3A_176, %reduce_sum3A_177 [1] : vector<8x100xf32> to vector<8xf32>
      %broadcast_in_dim3A_179 = vector.shape_cast %reduce_sum3A_178 : vector<8xf32> to vector<8x1xf32>
      %broadcast_in_dim3A_180 = vector.shape_cast %broadcast_in_dim3A_179 : vector<8x1xf32> to vector<8x1xf32>
      %broadcast_in_dim3A_181 = vector.broadcast %broadcast_in_dim3A_180 : vector<8x1xf32> to vector<8x100xf32>
      %select_n3A_182 = arith.select %eq3A_139, %broadcast_in_dim3A_181, %scan3A_118 : vector<8x100xi1>, vector<8x100xf32>
      %mul3A_183 = arith.mulf %mul3A_72, %convert_element_type3A_169 : vector<8x100xf32>
      %reduce_sum3A_184 = arith.constant dense<0.000000e+00> : vector<8xf32>
      %reduce_sum3A_185 = vector.multi_reduction <add>, %mul3A_183, %reduce_sum3A_184 [1] : vector<8x100xf32> to vector<8xf32>
      %broadcast_in_dim3A_186 = vector.shape_cast %reduce_sum3A_185 : vector<8xf32> to vector<8x1xf32>
      %broadcast_in_dim3A_187 = vector.shape_cast %broadcast_in_dim3A_186 : vector<8x1xf32> to vector<8x1xf32>
      %broadcast_in_dim3A_188 = vector.broadcast %broadcast_in_dim3A_187 : vector<8x1xf32> to vector<8x100xf32>
      %select_n3A_189 = arith.select %eq3A_139, %broadcast_in_dim3A_188, %scan3A_119 : vector<8x100xi1>, vector<8x100xf32>
      %mul3A_190 = arith.mulf %mul3A_78, %convert_element_type3A_169 : vector<8x100xf32>
      %reduce_sum3A_191 = arith.constant dense<0.000000e+00> : vector<8xf32>
      %reduce_sum3A_192 = vector.multi_reduction <add>, %mul3A_190, %reduce_sum3A_191 [1] : vector<8x100xf32> to vector<8xf32>
      %broadcast_in_dim3A_193 = vector.shape_cast %reduce_sum3A_192 : vector<8xf32> to vector<8x1xf32>
      %broadcast_in_dim3A_194 = vector.shape_cast %broadcast_in_dim3A_193 : vector<8x1xf32> to vector<8x1xf32>
      %broadcast_in_dim3A_195 = vector.broadcast %broadcast_in_dim3A_194 : vector<8x1xf32> to vector<8x100xf32>
      %select_n3A_196 = arith.select %eq3A_139, %broadcast_in_dim3A_195, %scan3A_120 : vector<8x100xi1>, vector<8x100xf32>
      %jit3A_197 = arith.constant 0xFF800000 : f32
      %broadcast_in_dim3A_198 = vector.broadcast %jit3A_197 : f32 to vector<8x9100xf32>
      %select_n3A_199 = arith.select %eq3A_132, %broadcast_in_dim3A_198, %get3A_123 : vector<8x9100xi1>, vector<8x9100xf32>
      %swap3A_200 = arith.constant 0 : index
      %swap3A_201 = arith.constant 0 : index
      %swap3A_202 = vector.load %arg7[%swap3A_200, %swap3A_201] : memref<8x9100xf32, #tpu.memory_space<vmem>>, vector<8x9100xf32>
      tpu.vector_store %arg7[%swap3A_200, %swap3A_201], %select_n3A_199 {strides = array<i32>} : memref<8x9100xf32, #tpu.memory_space<vmem>>, vector<8x9100xf32>,
      scf.yield %select_n3A_142, %select_n3A_166, %select_n3A_175, %select_n3A_182, %select_n3A_189, %select_n3A_196 : vector<8x100xf32>, vector<8x100xi32>, vector<8x100xf32>, vector<8x100xf32>, vector<8x100xf32>, vector<8x100xf32>
    }
    %scan3A_87 = arith.constant 100 : i32
    %swap3A_88 = arith.constant 0 : index
    %swap3A_89 = arith.constant 0 : index
    %swap3A_90 = vector.load %arg4[%swap3A_88, %swap3A_89] : memref<8x100xf32, #tpu.memory_space<vmem>>, vector<8x100xf32>
    tpu.vector_store %arg4[%swap3A_88, %swap3A_89], %scan3A_86#0 {strides = array<i32>} : memref<8x100xf32, #tpu.memory_space<vmem>>, vector<8x100xf32>,
    %swap3A_91 = arith.constant 0 : index
    %swap3A_92 = arith.constant 0 : index
    %swap3A_93 = vector.load %arg5[%swap3A_91, %swap3A_92] : memref<8x100xi32, #tpu.memory_space<vmem>>, vector<8x100xi32>
    tpu.vector_store %arg5[%swap3A_91, %swap3A_92], %scan3A_86#1 {strides = array<i32>} : memref<8x100xi32, #tpu.memory_space<vmem>>, vector<8x100xi32>,
    %broadcast_in_dim3A_94 = vector.shape_cast %scan3A_86#2 : vector<8x100xf32> to vector<8x100x1xf32>
    %swap3A_95 = arith.constant 0 : index
    %swap3A_96 = arith.constant 0 : index
    %swap3A_97 = arith.constant 0 : index
    %swap3A_98 = vector.load %arg6[%swap3A_95, %swap3A_96, %swap3A_97] : memref<8x100x4xf32, #tpu.memory_space<vmem>>, vector<8x100x1xf32>
    tpu.vector_store %arg6[%swap3A_95, %swap3A_96, %swap3A_97], %broadcast_in_dim3A_94 {strides = array<i32>} : memref<8x100x4xf32, #tpu.memory_space<vmem>>, vector<8x100x1xf32>,
    %broadcast_in_dim3A_99 = vector.shape_cast %scan3A_86#3 : vector<8x100xf32> to vector<8x100x1xf32>
    %swap3A_100 = arith.constant 0 : index
    %swap3A_101 = arith.constant 0 : index
    %swap3A_102 = arith.constant 1 : index
    %swap3A_103 = vector.load %arg6[%swap3A_100, %swap3A_101, %swap3A_102] : memref<8x100x4xf32, #tpu.memory_space<vmem>>, vector<8x100x1xf32>
    tpu.vector_store %arg6[%swap3A_100, %swap3A_101, %swap3A_102], %broadcast_in_dim3A_99 {strides = array<i32>} : memref<8x100x4xf32, #tpu.memory_space<vmem>>, vector<8x100x1xf32>,
    %broadcast_in_dim3A_104 = vector.shape_cast %scan3A_86#4 : vector<8x100xf32> to vector<8x100x1xf32>
    %swap3A_105 = arith.constant 0 : index
    %swap3A_106 = arith.constant 0 : index
    %swap3A_107 = arith.constant 2 : index
    %swap3A_108 = vector.load %arg6[%swap3A_105, %swap3A_106, %swap3A_107] : memref<8x100x4xf32, #tpu.memory_space<vmem>>, vector<8x100x1xf32>
    tpu.vector_store %arg6[%swap3A_105, %swap3A_106, %swap3A_107], %broadcast_in_dim3A_104 {strides = array<i32>} : memref<8x100x4xf32, #tpu.memory_space<vmem>>, vector<8x100x1xf32>,
    %broadcast_in_dim3A_109 = vector.shape_cast %scan3A_86#5 : vector<8x100xf32> to vector<8x100x1xf32>
    %swap3A_110 = arith.constant 0 : index
    %swap3A_111 = arith.constant 0 : index
    %swap3A_112 = arith.constant 3 : index
    %swap3A_113 = vector.load %arg6[%swap3A_110, %swap3A_111, %swap3A_112] : memref<8x100x4xf32, #tpu.memory_space<vmem>>, vector<8x100x1xf32>
    tpu.vector_store %arg6[%swap3A_110, %swap3A_111, %swap3A_112], %broadcast_in_dim3A_109 {strides = array<i32>} : memref<8x100x4xf32, #tpu.memory_space<vmem>>, vector<8x100x1xf32>,
    return
  }
}

</mosaic_0001>

<sc_bundles>
// kernel: kernel.6.cloned.1.call-start
scs
__scs_entry_jumppad:
0x0: {  	(pc) =	sbr.rel $0x88, $3  }
0x1: {  	(tag) =	ssettag $0x0;
	lr =	simm.s32 $0x1  }
0x2: {  	[smem:$0x3F9D] =	sst lr;
	_ =	strace $0xD0000000  }
0x3: {  	_ = 	snop  }
0x4: {  	_ = 	snop  }
0x5: {  	_ = 	snop  }
0x6: {  	_ = 	snop  }
0x7: {  	_ = 	snop  }
__scs_overlays_trampoline_lowered:
0x8: {  	[smem:$0x3FAC] =	sst s0  }
0x9: {  	[smem:$0x3FAD] =	sst s1  }
0xa: {  	[smem:$0x3FAE] =	sst s2  }
0xb: {  	[smem:$0x3FAF] =	sst s3  }
0xc: {  	[smem:$0x3FB0] =	sst s4  }
0xd: {  	[smem:$0x3FB1] =	sst s5  }
0xe: {  	[smem:$0x3FB2] =	sst s6  }
0xf: {  	[smem:$0x3FB3] =	sst s7  }
0x10: {  	[smem:$0x3FB4] =	sst s8  }
0x11: {  	[smem:$0x3FB5] =	sst s9;
	s0 =	simm.s32 @!p0 $0x0  }
0x12: {  	s1 =	sld [smem:$0x3F9B];
	s0 =	simm.s32 @p0 $0x1  }
0x13: {  	[smem:$0x3FB6] =	sst s0;
	s0 =	simm.s32 @!p1 $0x0  }
0x14: {  	s2 =	sld [smem:$0x3F9A];
	s0 =	simm.s32 @p1 $0x1  }
0x15: {  	[smem:$0x3FB7] =	sst s0;
	s0 =	simm.s32 @!p2 $0x0  }
0x16: {  	s3 =	sld [smem:$0x3FDB];
	s0 =	simm.s32 @p2 $0x1  }
0x17: {  	s4 =	simm.s32 $0x1BF5;
	[smem:$0x3FB9] =	sst s0  }
0x18: {  	s0 =	sld [smem:$0x3F9C];
	_ =	swait.ge [sflag:s4], $0x0  }
0x19: {  	s7 =	sld [smem:$0x3F9D]  }
0x1a: {  	s8 =	sadd.s32 $0xFFFFE003, lr  }
0x1b: {  	s9 =	sadd.s32 $0xFFFFFEF7, lr;
	s5 =	simm.s32 $0xFFFFFFFF;
	p2 =	slt.u32 s8, $0xFFFFF086  }
0x1c: {  	p1 =	slt.u32 s9, $0xF7A;
	s5 =	simm.s32 @!p2 $0x0  }
0x1d: {  	s5 =	simm.s32 @p1 $0x1;
	p0 =	seq.s32 s7, s2  }
0x1e: {  	s7 =	smul.u32 @!p0 $0xF7A, s2;
	p2 =	seq.s32 @!p0 s5, $0x0  }
0x1f: {  	s9 =	smul.u32 $0xF7A, s1;
	s8 =	simm.s32 @!p0 $0x1BF5;
	p2 =	por !p2, p0  }
0x20: {  	[sflag:s8] =	ssyncset.s32 @!p0 $0xFFFFF086;
	s6 =	sadd.s32 @!p0 s3, s7;
	s7 =	simm.s32 @!p0 $0x108  }
0x21: {  	s3 =	sadd.s32 s3, s9;
	s6 =	sadd.s32 @!p0 $0x88, s6;
	s7 =	simm.s32 @p2 $0x1082  }
0x22: {  	[simem:s7], [sflag:s8] =	dma.local @!p0 [hbm:s6], $0xF7A  }
0x23: {  	s9 =	sor.u32 $0xD0000000, s2;
	s6 =	simm.s32 $0x108;
	_ =	swait.ge @!p0 [sflag:s8], $0x0  }
0x24: {  	s3 =	sadd.s32 $0x88, s3;
	s6 =	simm.s32 @!p1 $0x1082;
	[sflag:s4] =	ssyncset.s32 $0xFFFFF086  }
0x25: {  	[simem:s6], [sflag:s4] =	dma.local [hbm:s3], $0xF7A  }
0x26: {  	[smem:$0x3F9D] =	sst s1;
	(tag) =	ssettag s2;
	_ =	strace s9  }
0x27: {  	s1 =	sld [smem:$0x3FAD]  }
0x28: {  	s2 =	sld [smem:$0x3FAE]  }
0x29: {  	s4 =	sld [smem:$0x3FB0]  }
0x2a: {  	p0 =	seq.s32 s5, $0x0;
	s5 =	sld [smem:$0x3FB1]  }
0x2b: {  	s6 =	sld [smem:$0x3FB2]  }
0x2c: {  	s7 =	sld [smem:$0x3FB3]  }
0x2d: {  	s3 =	simm.s32 $0x108;
	s8 =	sld [smem:$0x3FB4]  }
0x2e: {  	s3 =	simm.s32 @!p0 $0x1082;
	s9 =	sld [smem:$0x3FB5]  }
0x2f: {  	lr =	sadd.s32 s0, s3;
	s0 =	sld [smem:$0x3FAC]  }
0x30: {  	s3 =	sld [smem:$0x3FAF]  }
0x31: {  	[smem:$0x3FB8] =	sst s10  }
0x32: {  	s10 =	sld [smem:$0x3FB6];
	_ =	sdelay $0x3  }
0x33: {  	p0 =	seq.s32 s10, $0x1;
	s10 =	sld [smem:$0x3FB8];
	_ =	sdelay $0x3  }
0x34: {  	[smem:$0x3FB8] =	sst s10  }
0x35: {  	s10 =	sld [smem:$0x3FB7];
	_ =	sdelay $0x3  }
0x36: {  	p1 =	seq.s32 s10, $0x1;
	s10 =	sld [smem:$0x3FB8];
	_ =	sdelay $0x3  }
0x37: {  	[smem:$0x3FB8] =	sst s10  }
0x38: {  	s10 =	sld [smem:$0x3FB9]  }
0x39: {  	_ = 	snop;
	(pc) =	sbr.ind lr, $3  }
0x3a: {  	_ = 	snop  }
0x3b: {  	_ = 	snop  }
0x3c: {  	p2 =	seq.s32 s10, $0x1;
	s10 =	sld [smem:$0x3FB8]  }
0x3d: {  	_ =	shalt  }
0x3e: {  	_ =	shalt  }
0x3f: {  	_ =	shalt  }
0x40: {  	_ =	shalt  }
0x41: {  	_ =	shalt  }
0x42: {  	_ =	shalt  }
0x43: {  	_ =	shalt  }
0x44: {  	_ =	shalt  }
0x45: {  	_ =	shalt  }
0x46: {  	_ =	shalt  }
0x47: {  	_ =	shalt  }
0x48: {  	_ =	shalt  }
0x49: {  	_ =	shalt  }
0x4a: {  	_ =	shalt  }
0x4b: {  	_ =	shalt  }
0x4c: {  	_ =	shalt  }
0x4d: {  	_ =	shalt  }
0x4e: {  	_ =	shalt  }
0x4f: {  	_ =	shalt  }
0x50: {  	_ =	shalt  }
0x51: {  	_ =	shalt  }
0x52: {  	_ =	shalt  }
0x53: {  	_ =	shalt  }
0x54: {  	_ =	shalt  }
0x55: {  	_ =	shalt  }
0x56: {  	_ =	shalt  }
0x57: {  	_ =	shalt  }
0x58: {  	_ =	shalt  }
0x59: {  	_ =	shalt  }
0x5a: {  	_ =	shalt  }
0x5b: {  	_ =	shalt  }
0x5c: {  	_ =	shalt  }
0x5d: {  	_ =	shalt  }
0x5e: {  	_ =	shalt  }
0x5f: {  	_ =	shalt  }
0x60: {  	_ =	shalt  }
0x61: {  	_ =	shalt  }
0x62: {  	_ =	shalt  }
0x63: {  	_ =	shalt  }
0x64: {  	_ =	shalt  }
0x65: {  	_ =	shalt  }
0x66: {  	_ =	shalt  }
0x67: {  	_ =	shalt  }
0x68: {  	_ =	shalt  }
0x69: {  	_ =	shalt  }
0x6a: {  	_ =	shalt  }
0x6b: {  	_ =	shalt  }
0x6c: {  	_ =	shalt  }
0x6d: {  	_ =	shalt  }
0x6e: {  	_ =	shalt  }
0x6f: {  	_ =	shalt  }
0x70: {  	_ =	shalt  }
0x71: {  	_ =	shalt  }
0x72: {  	_ =	shalt  }
0x73: {  	_ =	shalt  }
0x74: {  	_ =	shalt  }
0x75: {  	_ =	shalt  }
0x76: {  	_ =	shalt  }
0x77: {  	_ =	shalt  }
0x78: {  	_ =	shalt  }
0x79: {  	_ =	shalt  }
0x7a: {  	_ =	shalt  }
0x7b: {  	_ =	shalt  }
0x7c: {  	_ =	shalt  }
0x7d: {  	_ =	shalt  }
0x7e: {  	_ =	shalt  }
0x7f: {  	_ =	shalt  }
0x80: {  	_ =	shalt  }
0x81: {  	_ =	shalt  }
0x82: {  	_ =	shalt  }
0x83: {  	_ =	shalt  }
0x84: {  	_ =	shalt  }
0x85: {  	_ =	shalt  }
0x86: {  	_ =	shalt  }
0x87: {  	_ =	shalt  }
.Lfunc_end0:
.L_simem_size_0:
called_computation_lowered:
.L_overlay_start_0:
0x88: {  	s2 =	sld [smem:$0x3FD9]  }
0x89: {  	s3 =	sld [smem:$0x3FFE];
	_ =	sdelay $0x1  }
0x8a: {  	s1 =	srdreg.scid  }
0x8b: {  	s0 =	sand.u32 $0x1, s1  }
0x8c: {  	s14 =	sshll.u32 s0, $0xA;
	s2 =	sadd.s32 s3, s2  }
0x8d: {  	s2 =	sadd.s32 s2, s14  }
0x8e: {  	[smem:$0x3FC4] =	sst s2  }
0x8f: {  	_ = 	snop  }
0x90: {  	s2 =	sld [smem:$0x3FD0];
	_ =	sdelay $0x2  }
0x91: {  	s15 =	simm.s32 $0xA;
	s4 =	simm.s32 $0x10  }
0x92: {  	[smem:s4], [sflag:s15] =	dma.local [hbm:s2], $0x1  }
0x93: {  	_ =	swait.eq [sflag:s15], $0x1  }
0x94: {  	[sflag:s15] =	ssyncset.done $0x0  }
0x95: {  	[sflag:s15] =	ssyncadd.s32 $0xFFFFFFFF  }
0x96: {  	s16 =	sld [smem:$0x11];
	(tm) =	ssettm $0x1  }
0x97: {  	s17 =	sld [smem:$0x3FFB];
	_ =	sdelay $0x3  }
0x98: {  	_ =	strace s17  }
0x99: {  	s3 =	sld [smem:$0x3FFC];
	_ =	sdelay $0x3  }
0x9a: {  	_ =	strace s3  }
0x9b: {  	s3 =	sld [smem:$0x3FFD];
	_ =	sdelay $0x3  }
0x9c: {  	_ =	strace s3  }
0x9d: {  	_ =	strace $0x8FFFFFFF  }
0x9e: {  	s18 =	sld [smem:$0x3FDB];
	_ =	sdelay $0x1  }
0x9f: {  	s19 =	simm.s32 $_scs_section_size  }
0xa0: {  	s5 =	simm.s32 $_size__tile_overlayer_lowered;
	s6 =	simm.s32 $_tile_overlayer_lowered  }
0xa1: {  	s22 =	simm.s32 $0x1BFF;
	s21 =	sshll.u32 s6, $0x1;
	s3 =	sadd.s32 s19, s18  }
0xa2: {  	s7 =	simm.s32 $0x0;
	s20 =	sshll.u32 s5, $0x1;
	s5 =	sadd.s32 s21, s3  }
0xa3: {  	[timem:s7], [sflag:s22] =	dma.local [hbm:s5], s20  }
0xa4: {  	_ =	swait.ge [sflag:s22], s20  }
0xa5: {  	s4 =	ssub.s32 $0x0, s20;
	[sflag:s22] =	ssyncset.done $0x0  }
0xa6: {  	[sflag:s22] =	ssyncadd.s32 s4;
	_ =	sdelay $0x1  }
0xa7: {  	s23 =	simm.s32 $0x1B8B  }
0xa8: {  	_ =	swait.ge [sflag:s23], $0x1  }
0xa9: {  	[sflag:s23] =	ssyncset.done $0x0  }
0xaa: {  	s25 =	simm.s32 $0x1B8E;
	s24 =	sld [smem:$0x3FFE];
	[sflag:s23] =	ssyncadd.s32 $0xFFFFFFFF  }
0xab: {  	s26 =	simm.s32 $execute0_lowered;
	[smem:$0x3FD2] =	sst s25  }
0xac: {  	s5 =	sshll.u32 s26, $0x1;
	_ =	strace $0x80000046;
	[dreg:$0x1] =	wrdreg $0xFFFFFFFF  }
0xad: {  	s28 =	simm.s32 $_size_execute0_lowered;
	s3 =	sadd.s32 s3, s5;
	[dreg:$0x0] =	wrdreg $0x0  }
0xae: {  	s5 =	sshll.u32 s28, $0x1;
	[dreg:$0x2] =	wrdreg s3  }
0xaf: {  	[dreg:$0x3] =	wrdreg s5  }
0xb0: {  	[dreg:$0x4] =	wrdreg $0xC0  }
0xb1: {  	_ =	task [dreg:s7], $0x5FFFF  }
0xb2: {  	[dreg:$0x1] =	wrdreg $0xFFFFFFFF  }
0xb3: {  	[dreg:$0x0] =	wrdreg $0x60  }
0xb4: {  	[dreg:$0x2] =	wrdreg s24  }
0xb5: {  	[dreg:$0x3] =	wrdreg s16  }
0xb6: {  	[dreg:$0x4] =	wrdreg $0x9  }
0xb7: {  	_ =	task.clear_ibuf [dreg:s7], $0x5FFFF;
	_ =	strace $0x90000046  }
0xb8: {  	s29 =	simm.s32 $0x9;
	_ =	strace $0x80000048  }
0xb9: {  	_ =	swait.ge [sflag:s29], $0x1  }
0xba: {  	[sflag:s29] =	ssyncadd.s32 $0xFFFFFFFF  }
0xbb: {  	_ =	strace $0x90000048  }
0xbc: {  	_ =	sfence  }
0xbd: {  	s30 =	sld [smem:$0x0];
	_ =	sdelay $0x2  }
0xbe: {  	s31 =	sshll.u32 s1, $0xD;
	s1 =	sshrl.u32 s1, $0x2  }
0xbf: {  	s3 =	sand.u32 $0x4000, s31;
	s1 =	sadd.s32 s1, s30  }
0xc0: {  	s0 =	sor.u32 s3, s0;
	s1 =	sshll.u32 s1, $0x11  }
0xc1: {  	s0 =	sor.u32 s1, s0  }
0xc2: {  	s0 =	sadd.s32 $0x8F2B, s0  }
0xc3: {  	[sflag:s0] =	ssyncadd.remote.s32 $0x1  }
0xc4: {  	_ =	sfence.sel $0xFFFF  }
0xc5: {  	[dreg:$0x0] =	wrdreg $0xFFFFFFFF;
	(pc) =	sbr.abs _section_cstart, $3  }
0xc6: {  	[dreg:$0x1] =	wrdreg $0xFFFFFFFF  }
0xc7: {  	_ =	task.clear_ibuf [dreg:s7], $0x2FFFF;
	_ =	strace $0x9FFFFFFF  }
0xc8: {  	(tm) =	ssettm $0x7FFFFFFF  }
0xc9: {  	_ =	shalt  }
tec
execute0_lowered:
.L_overlay_start_1:
0x0: {  	(tag) =	ssettag $0x1  }
0x1: {  	s1 =	srdreg.scid;
	s9 =	rddreg [dreg:$0x0]  }
0x2: {  	s0 =	stileid.u32;
	s3 =	rddreg [dreg:$0x1]  }
0x3: {  	s2 =	simm.s32 $0x0;
	s7 =	simm.s32 $0x80;
	s6 =	sand.u32 $0x1, s1  }
0x4: {  	s4 =	sshll.u32 s0, $0x6;
	s1 =	rddreg [dreg:$0x2];
	s5 =	sshll.u32 s6, $0x5  }
0x5: {  	s8 =	simm.s32 $0x1;
	[smem:$0x7FF] =	sst s2;
	s10 =	sor.u32 s5, s4  }
0x6: {  	_ =	strace $0x80000047;
	s11 =	ssub.s32 $0x2, s6;
	s4 =	sshrl.u32 s10, $0x3  }
0x7: {  	s6 =	simm.s32 $0x20;
	s4 =	sadd.s32 s3, s4;
	s3 =	simm.s32 $0x2  }
0x8: {  	[tilespmem:s2], [sflag:$0x2] =	stream.linear.gather [hbm4b:s4+s2], $0x20, $0x38;
	[tilespmem:$0x1080] =	vst v63  }
0x9: {  	s5 =	sadd.s32 $0x9C5600, s9;
	s12 =	sshrl.u32 s11, $0x1;
	_ =	swait.ge [sflag:s3], $0x20  }
0xa: {  	s10 =	sshll.u32 s10, $0x4;
	s31 =	ssub.s32 s11, s12;
	[sflag:s3] =	ssyncset.done $0x0  }
0xb: {  	s9 =	sadd.s32 s10, s9;
	s10 =	smax.u32 s31, $0x1;
	[sflag:s3] =	ssyncadd.s32 $0xFFFFFFE0  }
0xc: {  	[tilespmem:s7], [sflag:$0x1] =	stream.indirect.gather [hbm4b:s5+s6], $0x80, s2, s6, $0xb8;
	[tilespmem:$0x1080] =	vst v63  }
0xd: {  	p0 =	sne.s32 s10, $0x1;
	_ =	swait.ge [sflag:s8], $0x1000  }
.Ltmp0:
0xe: {  	[sflag:s8] =	ssyncset.done $0x0;
	(pc) =	sbr.rel @!p0 .LBB2_2-.Ltmp0, $4  }
0xf: {  	s9 =	sadd.s32 $0x1600, s9;
	[sflag:s8] =	ssyncadd.s32 $0xFFFFF000  }
0x10: {  	[hbm4b:s9+s2] =	stream.linear.scatter [tilespmem:s7], [sflag:$0x2], $0x1000, $0x38;
	[tilespmem:$0x1080] =	vst v63  }
0x11: {  	_ =	swait.ge [sflag:s3], $0x1000  }
0x12: {  	s10 =	sadd.s32 $0xFFFFFFFF, s10;
	[sflag:s3] =	ssyncset.done $0x0  }
.LBB2_1:
0x13: {  	p0 =	sne.s32 s10, $0x1;
	s10 =	sadd.s32 $0xFFFFFFFF, s10;
	[sflag:s3] =	ssyncadd.s32 $0xFFFFF000  }
0x14: {  	[tilespmem:s2], [sflag:$0x2] =	stream.linear.gather [hbm4b:s4+s2], $0x20, $0x38;
	[tilespmem:$0x1080] =	vst v63  }
0x15: {  	_ =	swait.ge [sflag:s3], $0x20  }
0x16: {  	[sflag:s3] =	ssyncset.done $0x0  }
0x17: {  	[sflag:s3] =	ssyncadd.s32 $0xFFFFFFE0  }
0x18: {  	[tilespmem:s7], [sflag:$0x1] =	stream.indirect.gather [hbm4b:s5+s6], $0x80, s2, s6, $0xb8;
	[tilespmem:$0x1080] =	vst v63  }
0x19: {  	_ =	swait.ge [sflag:s8], $0x1000  }
.Ltmp1:
0x1a: {  	[sflag:s8] =	ssyncset.done $0x0;
	(pc) =	sbr.rel @p0 .LBB2_1-.Ltmp1, $4  }
0x1b: {  	[sflag:s8] =	ssyncadd.s32 $0xFFFFF000  }
0x1c: {  	[hbm4b:s9+s2] =	stream.linear.scatter [tilespmem:s7], [sflag:$0x2], $0x1000, $0x38;
	[tilespmem:$0x1080] =	vst v63  }
0x1d: {  	_ =	swait.ge [sflag:s3], $0x1000  }
0x1e: {  	[sflag:s3] =	ssyncset.done $0x0  }
.LBB2_2:
0x1f: {  	[sflag:s3] =	ssyncadd.s32 $0xFFFFF000  }
0x20: {  	_ =	sfence.sel $0x180000  }
0x21: {  	[bflag:$0x0] =	sbarrier.arrive $0xFFFF  }
0x22: {  	p0 =	sne.s32 s0, $0x0;
	_ =	strace $0x90000047  }
0x23: {  	s0 =	sadd.s32 @!p0 $0x100000, s1;
	[bflag:$0x2] =	sbarrier.arrive $0xFFFF  }
0x24: {  	[sflag:s0] =	ssyncadd.tile.s32 @!p0 $0x1;
	_ =	shalt  }
.Lfunc_end2:
_tile_overlayer_lowered:
.L_overlay_start_2:
0x25: {  	(tag) =	ssettag $0x2  }
0x26: {  	s0 =	rddreg [dreg:$0x0];
	s2 =	stileid.u32  }
0x27: {  	s1 =	rddreg [dreg:$0x1];
	p0 =	sne.s32 s2, $0x0  }
0x28: {  	s3 =	rddreg [dreg:$0x2];
	[bflag:$0x3] =	sbarrier.arrive $0xFFFF;
	s2 =	simm.s32 @!p0 $0x1C02  }
0x29: {  	[timem:s3], [sflag:s2] =	dma.local @!p0 [hbm:s0], s1  }
0x2a: {  	s0 =	simm.s32 @!p0 $0x2  }
0x2b: {  	_ =	swait.ge @!p0 [sflag:s0], s1  }
0x2c: {  	s1 =	ssub.s32 @!p0 $0x0, s1;
	[sflag:s0] =	ssyncset.done @!p0 $0x0  }
0x2d: {  	[sflag:s0] =	ssyncadd.s32 @!p0 s1  }
0x2e: {  	[bflag:$0x3] =	sbarrier.arrive $0xFFFF  }
0x2f: {  	_ =	shalt  }

</sc_bundles>
